<compile_context>
chip_gen: v7x
topology: tpu7x:2x2x1
jax: 0.10.2.dev20260603
libtpu: 0.0.44.dev20260713+nightly
codegen_flags: <defaults>
</compile_context>

<pallas_src>
import jax
import jax.numpy as jnp
from jax import lax
from jax.experimental import pallas as pl
from jax.experimental.pallas import tpu as pltpu

_N = 20000
_PRE = 2000
_POST = 1000
_THR = 0.7
_MINSZ = 0.001
_IMG_W = 800.0
_IMG_H = 800.0

_K = 2048
_B = 128
_NB = _K // _B


def _nms_body(x1c, y1c, x2c, y2c, x1r, y1r, x2r, y2r, keep_ref):
    keep_ref[...] = jnp.ones((_NB, _B), jnp.float32)
    ut = (lax.broadcasted_iota(jnp.int32, (_B, _B), 1)
          > lax.broadcasted_iota(jnp.int32, (_B, _B), 0)).astype(jnp.float32)

    def outer(i, _):
        ax1 = x1c[pl.ds(i * _B, _B), :]
        ay1 = y1c[pl.ds(i * _B, _B), :]
        ax2 = x2c[pl.ds(i * _B, _B), :]
        ay2 = y2c[pl.ds(i * _B, _B), :]
        area_a = (ax2 - ax1) * (ay2 - ay1)

        def iou_vs(j):
            bx1 = x1r[pl.ds(j, 1), :]
            by1 = y1r[pl.ds(j, 1), :]
            bx2 = x2r[pl.ds(j, 1), :]
            by2 = y2r[pl.ds(j, 1), :]
            area_b = (bx2 - bx1) * (by2 - by1)
            wx = jnp.maximum(jnp.minimum(ax2, bx2) - jnp.maximum(ax1, bx1), 0.0)
            wy = jnp.maximum(jnp.minimum(ay2, by2) - jnp.maximum(ay1, by1), 0.0)
            inter = wx * wy
            return inter / ((area_a + area_b) - inter + 1e-9)

        supm = (iou_vs(i) > _THR).astype(jnp.float32) * ut
        init = keep_ref[pl.ds(i, 1), :]

        def fp_cond(st):
            return st[0]

        def fp_body(st):
            _, kv = st
            s = jnp.dot(kv, supm, preferred_element_type=jnp.float32)
            kv2 = jnp.where(s > 0.0, 0.0, init)
            return jnp.any(kv2 != kv), kv2

        kv = lax.while_loop(fp_cond, fp_body, (jnp.bool_(True), init))[1]
        keep_ref[pl.ds(i, 1), :] = kv

        def cross(j, _c):
            ind = (iou_vs(j) > _THR).astype(jnp.float32)
            s = jnp.dot(kv, ind, preferred_element_type=jnp.float32)
            rowj = keep_ref[pl.ds(j, 1), :]
            keep_ref[pl.ds(j, 1), :] = rowj * (1.0 - (s > 0.0).astype(jnp.float32))
            return 0

        lax.fori_loop(i + 1, _NB, cross, 0)
        return 0

    lax.fori_loop(0, _NB, outer, 0)


_nms_call = pl.pallas_call(
    _nms_body,
    out_shape=jax.ShapeDtypeStruct((_NB, _B), jnp.float32),
)


@jax.jit
def kernel(boxes, scores, idxs):
    top_scores, top_idx = lax.top_k(scores, _PRE)
    b = boxes[top_idx]
    lv = idxs[top_idx]

    bx = jnp.clip(b[:, 0::2], 0.0, _IMG_W)
    by = jnp.clip(b[:, 1::2], 0.0, _IMG_H)
    b = jnp.stack([bx[:, 0], by[:, 0], bx[:, 1], by[:, 1]], axis=1)

    ws = b[:, 2] - b[:, 0]
    hs = b[:, 3] - b[:, 1]
    valid = (ws >= _MINSZ) & (hs >= _MINSZ)
    sc = jnp.where(valid, top_scores, -jnp.inf)

    max_coordinate = b.max()
    offsets = lv.astype(b.dtype) * (max_coordinate + 1.0)
    bn = b + offsets[:, None]
    bn = jnp.pad(bn, ((0, _K - _PRE), (0, 0)))
    cols = [bn[:, c].reshape(_K, 1) for c in range(4)]
    rows = [bn[:, c].reshape(_NB, _B) for c in range(4)]
    keep_f = _nms_call(*cols, *rows)
    keep = (keep_f.reshape(_K)[:_PRE] > 0.5) & valid

    sc_kept = jnp.where(keep, sc, -jnp.inf)
    final_scores, final_idx = lax.top_k(sc_kept, _POST)
    final_boxes = b[final_idx]
    return jnp.concatenate([final_boxes, final_scores[:, None]], axis=1)

# --- scband reference (transcript-rebuilt; emitter-appended) ---
"""Pipeline reference for scband-region-proposal-network-87462714016352 (READ-ONLY COPY).

The authoritative reference and input builder live on the scoring server;
editing this copy changes nothing except your own understanding.
"""

import jax, jax.numpy as jnp
import numpy as np

N = 20000
PRE_NMS_TOP_N = 2000
POST_NMS_TOP_N = 1000
NMS_THRESH = 0.7
MIN_SIZE = 0.001
IMG_H, IMG_W = 800, 800
NUM_LEVELS = 5


def setup_inputs(seed: int = 0) -> dict:
    key = jax.random.key(seed)
    k1, k2, k3, k4 = jax.random.split(key, 4)
    # boxes in (x1, y1, x2, y2) format inside an ~800x800 image
    u = jax.random.uniform(k1, (N, 4), dtype=jnp.float32)
    x1y1 = u[:, :2] * jnp.array([IMG_W, IMG_H], dtype=jnp.float32)
    wh = jax.random.uniform(k4, (N, 2), dtype=jnp.float32) * 150.0 + 1.0
    boxes = jnp.concatenate([x1y1, x1y1 + wh], axis=1)
    scores = jax.random.normal(k2, (N,), dtype=jnp.float32)
    idxs = jax.random.randint(k3, (N,), 0, NUM_LEVELS, dtype=jnp.int64)
    return {"boxes": boxes, "scores": scores, "idxs": idxs}


def _box_iou(a, b):
    area_a = (a[:, 2] - a[:, 0]) * (a[:, 3] - a[:, 1])
    area_b = (b[:, 2] - b[:, 0]) * (b[:, 3] - b[:, 1])
    lt = jnp.maximum(a[:, None, :2], b[None, :, :2])
    rb = jnp.minimum(a[:, None, 2:], b[None, :, 2:])
    wh = jnp.clip(rb - lt, 0.0, None)
    inter = wh[..., 0] * wh[..., 1]
    return inter / (area_a[:, None] + area_b[None, :] - inter + 1e-9)


def _nms_keep(boxes_sorted, iou_threshold):
    # boxes_sorted are already in decreasing-score order.
    K = boxes_sorted.shape[0]
    iou = _box_iou(boxes_sorted, boxes_sorted)
    idx = jnp.arange(K)

    def body(i, keep):
        suppress = keep[i] & (iou[i] > iou_threshold) & (idx > i)
        return keep & (~suppress)

    keep = jax.lax.fori_loop(0, K, body, jnp.ones((K,), dtype=bool))
    return keep


def reference(boxes, scores, idxs):
    # 1) pre-NMS top-k by objectness score (RPN._get_top_n_idx equivalent)
    top_scores, top_idx = jax.lax.top_k(scores, PRE_NMS_TOP_N)
    b = boxes[top_idx]
    lv = idxs[top_idx]

    # 2) clip boxes to image (clip_boxes_to_image)
    bx = jnp.clip(b[:, 0::2], 0.0, float(IMG_W))
    by = jnp.clip(b[:, 1::2], 0.0, float(IMG_H))
    b = jnp.stack([bx[:, 0], by[:, 0], bx[:, 1], by[:, 1]], axis=1)

    # 3) remove small boxes (remove_small_boxes) -> mask instead of dynamic filter
    ws = b[:, 2] - b[:, 0]
    hs = b[:, 3] - b[:, 1]
    valid = (ws >= MIN_SIZE) & (hs >= MIN_SIZE)
    sc = jnp.where(valid, top_scores, -jnp.inf)

    # 4) batched_nms: offset boxes per level so NMS is independent across levels
    max_coordinate = b.max()
    offsets = lv.astype(b.dtype) * (max_coordinate + 1.0)
    boxes_for_nms = b + offsets[:, None]
    keep = _nms_keep(boxes_for_nms, NMS_THRESH) & valid

    # 5) keep post_nms_top_n highest scoring survivors
    sc_kept = jnp.where(keep, sc, -jnp.inf)
    final_scores, final_idx = jax.lax.top_k(sc_kept, POST_NMS_TOP_N)
    final_boxes = b[final_idx]
    return jnp.concatenate([final_boxes, final_scores[:, None]], axis=1)

if __name__ == "__main__":
    import jax
    _d = setup_inputs()
    print(jax.jit(kernel)(*tuple(_d.values())))

</pallas_src>

<mosaic_0001>
module attributes {stable_mosaic.version = 14 : i64} {
  func.func @_nms_body(%arg0: memref<2048x1xf32, #tpu.memory_space<vmem>>, %arg1: memref<2048x1xf32, #tpu.memory_space<vmem>>, %arg2: memref<2048x1xf32, #tpu.memory_space<vmem>>, %arg3: memref<2048x1xf32, #tpu.memory_space<vmem>>, %arg4: memref<16x128xf32, #tpu.memory_space<vmem>>, %arg5: memref<16x128xf32, #tpu.memory_space<vmem>>, %arg6: memref<16x128xf32, #tpu.memory_space<vmem>>, %arg7: memref<16x128xf32, #tpu.memory_space<vmem>>, %arg8: memref<16x128xf32, #tpu.memory_space<vmem>>) attributes {dimension_semantics = [], scalar_prefetch = 0 : i64, scratch_operands = 0 : i64, tpu.core_type = #tpu.core_type<tc>} {
    %broadcast_in_dim3A = arith.constant 1.000000e+00 : f32
    %broadcast_in_dim3A_0 = vector.broadcast %broadcast_in_dim3A : f32 to vector<16x128xf32>
    %swap3A = arith.constant 0 : index
    %swap3A_1 = arith.constant 0 : index
    %swap3A_2 = vector.load %arg8[%swap3A, %swap3A_1] : memref<16x128xf32, #tpu.memory_space<vmem>>, vector<16x128xf32>
    tpu.vector_store %arg8[%swap3A, %swap3A_1], %broadcast_in_dim3A_0 {strides = array<i32>} : memref<16x128xf32, #tpu.memory_space<vmem>>, vector<16x128xf32>,
    %iota3A = tpu.iota {dimensions = array<i32: 1>} : vector<128x128xi32>
    %iota3A_3 = tpu.iota {dimensions = array<i32: 0>} : vector<128x128xi32>
    %gt3A = arith.cmpi sgt, %iota3A, %iota3A_3 : vector<128x128xi32>
    %convert_element_type3A = arith.extui %gt3A : vector<128x128xi1> to vector<128x128xi32>
    %convert_element_type3A_4 = arith.sitofp %convert_element_type3A : vector<128x128xi32> to vector<128x128xf32>
    %scan3A = arith.constant 0 : i32
    %scan3A_5 = arith.constant 16 : i32
    %scan3A_6 = arith.addi %scan3A, %scan3A_5 : i32
    %scan3A_7 = arith.constant 1 : i32
    scf.for %scan3A_9 = %scan3A to %scan3A_6 step %scan3A_7  : i32 {
      %mul3A = arith.constant 128 : i32
      %mul3A_10 = arith.muli %scan3A_9, %mul3A : i32
      %get3A = arith.index_cast %mul3A_10 : i32 to index
      %get3A_11 = arith.constant 0 : index
      %get3A_12 = vector.load %arg0[%get3A, %get3A_11] : memref<2048x1xf32, #tpu.memory_space<vmem>>, vector<128x1xf32>
      %mul3A_13 = arith.constant 128 : i32
      %mul3A_14 = arith.muli %scan3A_9, %mul3A_13 : i32
      %get3A_15 = arith.index_cast %mul3A_14 : i32 to index
      %get3A_16 = arith.constant 0 : index
      %get3A_17 = vector.load %arg1[%get3A_15, %get3A_16] : memref<2048x1xf32, #tpu.memory_space<vmem>>, vector<128x1xf32>
      %mul3A_18 = arith.constant 128 : i32
      %mul3A_19 = arith.muli %scan3A_9, %mul3A_18 : i32
      %get3A_20 = arith.index_cast %mul3A_19 : i32 to index
      %get3A_21 = arith.constant 0 : index
      %get3A_22 = vector.load %arg2[%get3A_20, %get3A_21] : memref<2048x1xf32, #tpu.memory_space<vmem>>, vector<128x1xf32>
      %mul3A_23 = arith.constant 128 : i32
      %mul3A_24 = arith.muli %scan3A_9, %mul3A_23 : i32
      %get3A_25 = arith.index_cast %mul3A_24 : i32 to index
      %get3A_26 = arith.constant 0 : index
      %get3A_27 = vector.load %arg3[%get3A_25, %get3A_26] : memref<2048x1xf32, #tpu.memory_space<vmem>>, vector<128x1xf32>
      %sub3A = arith.subf %get3A_22, %get3A_12 : vector<128x1xf32>
      %sub3A_28 = arith.subf %get3A_27, %get3A_17 : vector<128x1xf32>
      %mul3A_29 = arith.mulf %sub3A, %sub3A_28 : vector<128x1xf32>
      %get3A_30 = arith.index_cast %scan3A_9 : i32 to index
      %get3A_31 = arith.constant 0 : index
      %get3A_32 = vector.load %arg4[%get3A_30, %get3A_31] : memref<16x128xf32, #tpu.memory_space<vmem>>, vector<1x128xf32>
      %get3A_33 = arith.index_cast %scan3A_9 : i32 to index
      %get3A_34 = arith.constant 0 : index
      %get3A_35 = vector.load %arg5[%get3A_33, %get3A_34] : memref<16x128xf32, #tpu.memory_space<vmem>>, vector<1x128xf32>
      %get3A_36 = arith.index_cast %scan3A_9 : i32 to index
      %get3A_37 = arith.constant 0 : index
      %get3A_38 = vector.load %arg6[%get3A_36, %get3A_37] : memref<16x128xf32, #tpu.memory_space<vmem>>, vector<1x128xf32>
      %get3A_39 = arith.index_cast %scan3A_9 : i32 to index
      %get3A_40 = arith.constant 0 : index
      %get3A_41 = vector.load %arg7[%get3A_39, %get3A_40] : memref<16x128xf32, #tpu.memory_space<vmem>>, vector<1x128xf32>
      %sub3A_42 = arith.subf %get3A_38, %get3A_32 : vector<1x128xf32>
      %sub3A_43 = arith.subf %get3A_41, %get3A_35 : vector<1x128xf32>
      %mul3A_44 = arith.mulf %sub3A_42, %sub3A_43 : vector<1x128xf32>
      %min3A = vector.broadcast %get3A_22 : vector<128x1xf32> to vector<128x128xf32>
      %min3A_45 = vector.broadcast %get3A_38 : vector<1x128xf32> to vector<128x128xf32>
      %min3A_46 = arith.minimumf %min3A, %min3A_45 : vector<128x128xf32>
      %max3A = vector.broadcast %get3A_12 : vector<128x1xf32> to vector<128x128xf32>
      %max3A_47 = vector.broadcast %get3A_32 : vector<1x128xf32> to vector<128x128xf32>
      %max3A_48 = arith.maximumf %max3A, %max3A_47 : vector<128x128xf32>
      %sub3A_49 = arith.subf %min3A_46, %max3A_48 : vector<128x128xf32>
      %max3A_50 = arith.constant 0.000000e+00 : f32
      %max3A_51 = vector.broadcast %max3A_50 : f32 to vector<128x128xf32>
      %max3A_52 = arith.maximumf %sub3A_49, %max3A_51 : vector<128x128xf32>
      %min3A_53 = vector.broadcast %get3A_27 : vector<128x1xf32> to vector<128x128xf32>
      %min3A_54 = vector.broadcast %get3A_41 : vector<1x128xf32> to vector<128x128xf32>
      %min3A_55 = arith.minimumf %min3A_53, %min3A_54 : vector<128x128xf32>
      %max3A_56 = vector.broadcast %get3A_17 : vector<128x1xf32> to vector<128x128xf32>
      %max3A_57 = vector.broadcast %get3A_35 : vector<1x128xf32> to vector<128x128xf32>
      %max3A_58 = arith.maximumf %max3A_56, %max3A_57 : vector<128x128xf32>
      %sub3A_59 = arith.subf %min3A_55, %max3A_58 : vector<128x128xf32>
      %max3A_60 = arith.constant 0.000000e+00 : f32
      %max3A_61 = vector.broadcast %max3A_60 : f32 to vector<128x128xf32>
      %max3A_62 = arith.maximumf %sub3A_59, %max3A_61 : vector<128x128xf32>
      %mul3A_63 = arith.mulf %max3A_52, %max3A_62 : vector<128x128xf32>
      %add3A = vector.broadcast %mul3A_29 : vector<128x1xf32> to vector<128x128xf32>
      %add3A_64 = vector.broadcast %mul3A_44 : vector<1x128xf32> to vector<128x128xf32>
      %add3A_65 = arith.addf %add3A, %add3A_64 : vector<128x128xf32>
      %sub3A_66 = arith.subf %add3A_65, %mul3A_63 : vector<128x128xf32>
      %add3A_67 = arith.constant 9.99999971E-10 : f32
      %add3A_68 = vector.broadcast %add3A_67 : f32 to vector<128x128xf32>
      %add3A_69 = arith.addf %sub3A_66, %add3A_68 : vector<128x128xf32>
      %div3A = arith.divf %mul3A_63, %add3A_69 : vector<128x128xf32>
      %gt3A_70 = arith.constant 0.699999988 : f32
      %gt3A_71 = vector.broadcast %gt3A_70 : f32 to vector<128x128xf32>
      %gt3A_72 = arith.cmpf ogt, %div3A, %gt3A_71 : vector<128x128xf32>
      %convert_element_type3A_73 = arith.extui %gt3A_72 : vector<128x128xi1> to vector<128x128xi32>
      %convert_element_type3A_74 = arith.sitofp %convert_element_type3A_73 : vector<128x128xi32> to vector<128x128xf32>
      %mul3A_75 = arith.mulf %convert_element_type3A_74, %convert_element_type3A_4 : vector<128x128xf32>
      %get3A_76 = arith.index_cast %scan3A_9 : i32 to index
      %get3A_77 = arith.constant 0 : index
      %get3A_78 = vector.load %arg8[%get3A_76, %get3A_77] : memref<16x128xf32, #tpu.memory_space<vmem>>, vector<1x128xf32>
      %while3A = arith.constant true
      %while3A_79:2 = scf.while (%while3A_97 = %while3A, %while3A_98 = %get3A_78) : (i1, vector<1x128xf32>) -> (i1, vector<1x128xf32>) {
        scf.condition(%while3A_97) %while3A_97, %while3A_98 : i1, vector<1x128xf32>
      } do {
      ^bb0(%while3A_97: i1, %while3A_98: vector<1x128xf32>):
        %dot_general3A = arith.constant dense<0.000000e+00> : vector<1x128xf32>
        %dot_general3A_99 = tpu.matmul %while3A_98, %mul3A_75, %dot_general3A {dimension_numbers = #tpu.dot_dimension_numbers<[1], [0], [0], [1], [0, 0, 1, 1], [], []>, transpose_lhs_hint = false} : vector<1x128xf32>, vector<128x128xf32>, vector<1x128xf32> -> vector<1x128xf32>
        %gt3A_100 = arith.constant 0.000000e+00 : f32
        %gt3A_101 = vector.broadcast %gt3A_100 : f32 to vector<1x128xf32>
        %gt3A_102 = arith.cmpf ogt, %dot_general3A_99, %gt3A_101 : vector<1x128xf32>
        %jit3A = arith.constant 0.000000e+00 : f32
        %broadcast_in_dim3A_103 = vector.broadcast %jit3A : f32 to vector<1x128xf32>
        %select_n3A = arith.select %gt3A_102, %broadcast_in_dim3A_103, %get3A_78 : vector<1x128xi1>, vector<1x128xf32>
        %ne3A = arith.cmpf one, %select_n3A, %while3A_98 : vector<1x128xf32>
        %reduce_or3A = arith.constant 1.000000e+00 : f32
        %reduce_or3A_104 = arith.constant 0.000000e+00 : f32
        %reduce_or3A_105 = vector.broadcast %reduce_or3A : f32 to vector<1x128xf32>
        %reduce_or3A_106 = vector.broadcast %reduce_or3A_104 : f32 to vector<1x128xf32>
        %reduce_or3A_107 = arith.select %ne3A, %reduce_or3A_105, %reduce_or3A_106 : vector<1x128xi1>, vector<1x128xf32>
        %reduce_or3A_108 = vector.shape_cast %reduce_or3A_107 : vector<1x128xf32> to vector<1x1x128xf32>
        %reduce_or3A_109 = arith.constant dense<0xFF800000> : vector<1xf32>
        %reduce_or3A_110 = vector.multi_reduction <maximumf>, %reduce_or3A_108, %reduce_or3A_109 [1, 2] : vector<1x1x128xf32> to vector<1xf32>
        %reduce_or3A_111 = vector.shape_cast %reduce_or3A_110 : vector<1xf32> to vector<1x1x1xf32>
        %reduce_or3A_112 = vector.extract %reduce_or3A_111[0, 0, 0] : f32 from vector<1x1x1xf32>
        %reduce_or3A_113 = arith.constant 0.000000e+00 : f32
        %reduce_or3A_114 = arith.cmpf ogt, %reduce_or3A_112, %reduce_or3A_113 : f32
        scf.yield %reduce_or3A_114, %select_n3A : i1, vector<1x128xf32>
      }
      %swap3A_80 = arith.index_cast %scan3A_9 : i32 to index
      %swap3A_81 = arith.constant 0 : index
      %swap3A_82 = vector.load %arg8[%swap3A_80, %swap3A_81] : memref<16x128xf32, #tpu.memory_space<vmem>>, vector<1x128xf32>
      tpu.vector_store %arg8[%swap3A_80, %swap3A_81], %while3A_79#1 {strides = array<i32>} : memref<16x128xf32, #tpu.memory_space<vmem>>, vector<1x128xf32>,
      %add3A_83 = arith.constant 1 : i32
      %add3A_84 = arith.addi %scan3A_9, %add3A_83 : i32
      %while3A_85 = arith.constant 16 : i32
      %while3A_86 = arith.constant 0 : i32
      %while3A_87 = arith.subi %while3A_85, %add3A_84 : i32
      %while3A_88 = arith.addi %add3A_84, %while3A_87 : i32
      %while3A_89 = arith.constant 1 : i32
      %while3A_90 = arith.divsi %while3A_87, %while3A_89 : i32
      %while3A_91 = arith.muli %while3A_90, %while3A_89 : i32
      %while3A_92 = arith.addi %add3A_84, %while3A_91 : i32
      %while3A_93 = arith.constant 1 : i32
      %while3A_94 = scf.for %while3A_97 = %add3A_84 to %while3A_92 step %while3A_93 iter_args(%while3A_98 = %while3A_86) -> (i32)  : i32 {
        %get3A_99 = arith.index_cast %while3A_97 : i32 to index
        %get3A_100 = arith.constant 0 : index
        %get3A_101 = vector.load %arg4[%get3A_99, %get3A_100] : memref<16x128xf32, #tpu.memory_space<vmem>>, vector<1x128xf32>
        %get3A_102 = arith.index_cast %while3A_97 : i32 to index
        %get3A_103 = arith.constant 0 : index
        %get3A_104 = vector.load %arg5[%get3A_102, %get3A_103] : memref<16x128xf32, #tpu.memory_space<vmem>>, vector<1x128xf32>
        %get3A_105 = arith.index_cast %while3A_97 : i32 to index
        %get3A_106 = arith.constant 0 : index
        %get3A_107 = vector.load %arg6[%get3A_105, %get3A_106] : memref<16x128xf32, #tpu.memory_space<vmem>>, vector<1x128xf32>
        %get3A_108 = arith.index_cast %while3A_97 : i32 to index
        %get3A_109 = arith.constant 0 : index
        %get3A_110 = vector.load %arg7[%get3A_108, %get3A_109] : memref<16x128xf32, #tpu.memory_space<vmem>>, vector<1x128xf32>
        %sub3A_111 = arith.subf %get3A_107, %get3A_101 : vector<1x128xf32>
        %sub3A_112 = arith.subf %get3A_110, %get3A_104 : vector<1x128xf32>
        %mul3A_113 = arith.mulf %sub3A_111, %sub3A_112 : vector<1x128xf32>
        %min3A_114 = vector.broadcast %get3A_22 : vector<128x1xf32> to vector<128x128xf32>
        %min3A_115 = vector.broadcast %get3A_107 : vector<1x128xf32> to vector<128x128xf32>
        %min3A_116 = arith.minimumf %min3A_114, %min3A_115 : vector<128x128xf32>
        %max3A_117 = vector.broadcast %get3A_12 : vector<128x1xf32> to vector<128x128xf32>
        %max3A_118 = vector.broadcast %get3A_101 : vector<1x128xf32> to vector<128x128xf32>
        %max3A_119 = arith.maximumf %max3A_117, %max3A_118 : vector<128x128xf32>
        %sub3A_120 = arith.subf %min3A_116, %max3A_119 : vector<128x128xf32>
        %max3A_121 = arith.constant 0.000000e+00 : f32
        %max3A_122 = vector.broadcast %max3A_121 : f32 to vector<128x128xf32>
        %max3A_123 = arith.maximumf %sub3A_120, %max3A_122 : vector<128x128xf32>
        %min3A_124 = vector.broadcast %get3A_27 : vector<128x1xf32> to vector<128x128xf32>
        %min3A_125 = vector.broadcast %get3A_110 : vector<1x128xf32> to vector<128x128xf32>
        %min3A_126 = arith.minimumf %min3A_124, %min3A_125 : vector<128x128xf32>
        %max3A_127 = vector.broadcast %get3A_17 : vector<128x1xf32> to vector<128x128xf32>
        %max3A_128 = vector.broadcast %get3A_104 : vector<1x128xf32> to vector<128x128xf32>
        %max3A_129 = arith.maximumf %max3A_127, %max3A_128 : vector<128x128xf32>
        %sub3A_130 = arith.subf %min3A_126, %max3A_129 : vector<128x128xf32>
        %max3A_131 = arith.constant 0.000000e+00 : f32
        %max3A_132 = vector.broadcast %max3A_131 : f32 to vector<128x128xf32>
        %max3A_133 = arith.maximumf %sub3A_130, %max3A_132 : vector<128x128xf32>
        %mul3A_134 = arith.mulf %max3A_123, %max3A_133 : vector<128x128xf32>
        %add3A_135 = vector.broadcast %mul3A_29 : vector<128x1xf32> to vector<128x128xf32>
        %add3A_136 = vector.broadcast %mul3A_113 : vector<1x128xf32> to vector<128x128xf32>
        %add3A_137 = arith.addf %add3A_135, %add3A_136 : vector<128x128xf32>
        %sub3A_138 = arith.subf %add3A_137, %mul3A_134 : vector<128x128xf32>
        %add3A_139 = arith.constant 9.99999971E-10 : f32
        %add3A_140 = vector.broadcast %add3A_139 : f32 to vector<128x128xf32>
        %add3A_141 = arith.addf %sub3A_138, %add3A_140 : vector<128x128xf32>
        %div3A_142 = arith.divf %mul3A_134, %add3A_141 : vector<128x128xf32>
        %gt3A_143 = arith.constant 0.699999988 : f32
        %gt3A_144 = vector.broadcast %gt3A_143 : f32 to vector<128x128xf32>
        %gt3A_145 = arith.cmpf ogt, %div3A_142, %gt3A_144 : vector<128x128xf32>
        %convert_element_type3A_146 = arith.extui %gt3A_145 : vector<128x128xi1> to vector<128x128xi32>
        %convert_element_type3A_147 = arith.sitofp %convert_element_type3A_146 : vector<128x128xi32> to vector<128x128xf32>
        %dot_general3A = arith.constant dense<0.000000e+00> : vector<1x128xf32>
        %dot_general3A_148 = tpu.matmul %while3A_79#1, %convert_element_type3A_147, %dot_general3A {dimension_numbers = #tpu.dot_dimension_numbers<[1], [0], [0], [1], [0, 0, 1, 1], [], []>, transpose_lhs_hint = false} : vector<1x128xf32>, vector<128x128xf32>, vector<1x128xf32> -> vector<1x128xf32>
        %get3A_149 = arith.index_cast %while3A_97 : i32 to index
        %get3A_150 = arith.constant 0 : index
        %get3A_151 = vector.load %arg8[%get3A_149, %get3A_150] : memref<16x128xf32, #tpu.memory_space<vmem>>, vector<1x128xf32>
        %gt3A_152 = arith.constant 0.000000e+00 : f32
        %gt3A_153 = vector.broadcast %gt3A_152 : f32 to vector<1x128xf32>
        %gt3A_154 = arith.cmpf ogt, %dot_general3A_148, %gt3A_153 : vector<1x128xf32>
        %convert_element_type3A_155 = arith.extui %gt3A_154 : vector<1x128xi1> to vector<1x128xi32>
        %convert_element_type3A_156 = arith.sitofp %convert_element_type3A_155 : vector<1x128xi32> to vector<1x128xf32>
        %sub3A_157 = arith.constant 1.000000e+00 : f32
        %sub3A_158 = vector.broadcast %sub3A_157 : f32 to vector<1x128xf32>
        %sub3A_159 = arith.subf %sub3A_158, %convert_element_type3A_156 : vector<1x128xf32>
        %mul3A_160 = arith.mulf %get3A_151, %sub3A_159 : vector<1x128xf32>
        %swap3A_161 = arith.index_cast %while3A_97 : i32 to index
        %swap3A_162 = arith.constant 0 : index
        %swap3A_163 = vector.load %arg8[%swap3A_161, %swap3A_162] : memref<16x128xf32, #tpu.memory_space<vmem>>, vector<1x128xf32>
        tpu.vector_store %arg8[%swap3A_161, %swap3A_162], %mul3A_160 {strides = array<i32>} : memref<16x128xf32, #tpu.memory_space<vmem>>, vector<1x128xf32>,
        %while3A_164 = arith.constant 0 : i32
        scf.yield %while3A_164 : i32
      }
      %while3A_95 = arith.constant 1 : i32
      %while3A_96 = scf.for %while3A_97 = %while3A_92 to %while3A_88 step %while3A_95 iter_args(%while3A_98 = %while3A_94) -> (i32)  : i32 {
        %get3A_99 = arith.index_cast %while3A_97 : i32 to index
        %get3A_100 = arith.constant 0 : index
        %get3A_101 = vector.load %arg4[%get3A_99, %get3A_100] : memref<16x128xf32, #tpu.memory_space<vmem>>, vector<1x128xf32>
        %get3A_102 = arith.index_cast %while3A_97 : i32 to index
        %get3A_103 = arith.constant 0 : index
        %get3A_104 = vector.load %arg5[%get3A_102, %get3A_103] : memref<16x128xf32, #tpu.memory_space<vmem>>, vector<1x128xf32>
        %get3A_105 = arith.index_cast %while3A_97 : i32 to index
        %get3A_106 = arith.constant 0 : index
        %get3A_107 = vector.load %arg6[%get3A_105, %get3A_106] : memref<16x128xf32, #tpu.memory_space<vmem>>, vector<1x128xf32>
        %get3A_108 = arith.index_cast %while3A_97 : i32 to index
        %get3A_109 = arith.constant 0 : index
        %get3A_110 = vector.load %arg7[%get3A_108, %get3A_109] : memref<16x128xf32, #tpu.memory_space<vmem>>, vector<1x128xf32>
        %sub3A_111 = arith.subf %get3A_107, %get3A_101 : vector<1x128xf32>
        %sub3A_112 = arith.subf %get3A_110, %get3A_104 : vector<1x128xf32>
        %mul3A_113 = arith.mulf %sub3A_111, %sub3A_112 : vector<1x128xf32>
        %min3A_114 = vector.broadcast %get3A_22 : vector<128x1xf32> to vector<128x128xf32>
        %min3A_115 = vector.broadcast %get3A_107 : vector<1x128xf32> to vector<128x128xf32>
        %min3A_116 = arith.minimumf %min3A_114, %min3A_115 : vector<128x128xf32>
        %max3A_117 = vector.broadcast %get3A_12 : vector<128x1xf32> to vector<128x128xf32>
        %max3A_118 = vector.broadcast %get3A_101 : vector<1x128xf32> to vector<128x128xf32>
        %max3A_119 = arith.maximumf %max3A_117, %max3A_118 : vector<128x128xf32>
        %sub3A_120 = arith.subf %min3A_116, %max3A_119 : vector<128x128xf32>
        %max3A_121 = arith.constant 0.000000e+00 : f32
        %max3A_122 = vector.broadcast %max3A_121 : f32 to vector<128x128xf32>
        %max3A_123 = arith.maximumf %sub3A_120, %max3A_122 : vector<128x128xf32>
        %min3A_124 = vector.broadcast %get3A_27 : vector<128x1xf32> to vector<128x128xf32>
        %min3A_125 = vector.broadcast %get3A_110 : vector<1x128xf32> to vector<128x128xf32>
        %min3A_126 = arith.minimumf %min3A_124, %min3A_125 : vector<128x128xf32>
        %max3A_127 = vector.broadcast %get3A_17 : vector<128x1xf32> to vector<128x128xf32>
        %max3A_128 = vector.broadcast %get3A_104 : vector<1x128xf32> to vector<128x128xf32>
        %max3A_129 = arith.maximumf %max3A_127, %max3A_128 : vector<128x128xf32>
        %sub3A_130 = arith.subf %min3A_126, %max3A_129 : vector<128x128xf32>
        %max3A_131 = arith.constant 0.000000e+00 : f32
        %max3A_132 = vector.broadcast %max3A_131 : f32 to vector<128x128xf32>
        %max3A_133 = arith.maximumf %sub3A_130, %max3A_132 : vector<128x128xf32>
        %mul3A_134 = arith.mulf %max3A_123, %max3A_133 : vector<128x128xf32>
        %add3A_135 = vector.broadcast %mul3A_29 : vector<128x1xf32> to vector<128x128xf32>
        %add3A_136 = vector.broadcast %mul3A_113 : vector<1x128xf32> to vector<128x128xf32>
        %add3A_137 = arith.addf %add3A_135, %add3A_136 : vector<128x128xf32>
        %sub3A_138 = arith.subf %add3A_137, %mul3A_134 : vector<128x128xf32>
        %add3A_139 = arith.constant 9.99999971E-10 : f32
        %add3A_140 = vector.broadcast %add3A_139 : f32 to vector<128x128xf32>
        %add3A_141 = arith.addf %sub3A_138, %add3A_140 : vector<128x128xf32>
        %div3A_142 = arith.divf %mul3A_134, %add3A_141 : vector<128x128xf32>
        %gt3A_143 = arith.constant 0.699999988 : f32
        %gt3A_144 = vector.broadcast %gt3A_143 : f32 to vector<128x128xf32>
        %gt3A_145 = arith.cmpf ogt, %div3A_142, %gt3A_144 : vector<128x128xf32>
        %convert_element_type3A_146 = arith.extui %gt3A_145 : vector<128x128xi1> to vector<128x128xi32>
        %convert_element_type3A_147 = arith.sitofp %convert_element_type3A_146 : vector<128x128xi32> to vector<128x128xf32>
        %dot_general3A = arith.constant dense<0.000000e+00> : vector<1x128xf32>
        %dot_general3A_148 = tpu.matmul %while3A_79#1, %convert_element_type3A_147, %dot_general3A {dimension_numbers = #tpu.dot_dimension_numbers<[1], [0], [0], [1], [0, 0, 1, 1], [], []>, transpose_lhs_hint = false} : vector<1x128xf32>, vector<128x128xf32>, vector<1x128xf32> -> vector<1x128xf32>
        %get3A_149 = arith.index_cast %while3A_97 : i32 to index
        %get3A_150 = arith.constant 0 : index
        %get3A_151 = vector.load %arg8[%get3A_149, %get3A_150] : memref<16x128xf32, #tpu.memory_space<vmem>>, vector<1x128xf32>
        %gt3A_152 = arith.constant 0.000000e+00 : f32
        %gt3A_153 = vector.broadcast %gt3A_152 : f32 to vector<1x128xf32>
        %gt3A_154 = arith.cmpf ogt, %dot_general3A_148, %gt3A_153 : vector<1x128xf32>
        %convert_element_type3A_155 = arith.extui %gt3A_154 : vector<1x128xi1> to vector<1x128xi32>
        %convert_element_type3A_156 = arith.sitofp %convert_element_type3A_155 : vector<1x128xi32> to vector<1x128xf32>
        %sub3A_157 = arith.constant 1.000000e+00 : f32
        %sub3A_158 = vector.broadcast %sub3A_157 : f32 to vector<1x128xf32>
        %sub3A_159 = arith.subf %sub3A_158, %convert_element_type3A_156 : vector<1x128xf32>
        %mul3A_160 = arith.mulf %get3A_151, %sub3A_159 : vector<1x128xf32>
        %swap3A_161 = arith.index_cast %while3A_97 : i32 to index
        %swap3A_162 = arith.constant 0 : index
        %swap3A_163 = vector.load %arg8[%swap3A_161, %swap3A_162] : memref<16x128xf32, #tpu.memory_space<vmem>>, vector<1x128xf32>
        tpu.vector_store %arg8[%swap3A_161, %swap3A_162], %mul3A_160 {strides = array<i32>} : memref<16x128xf32, #tpu.memory_space<vmem>>, vector<1x128xf32>,
        %while3A_164 = arith.constant 0 : i32
        scf.yield %while3A_164 : i32
      }
    }
    %scan3A_8 = arith.constant 16 : i32
    return
  }
}

</mosaic_0001>

<sc_bundles>
// kernel: gather_offload_async_start.1
scs
__scs_entry_jumppad:
0x0: {  	(pc) =	sbr.rel $0x88, $3  }
0x1: {  	(tag) =	ssettag $0x0;
	lr =	simm.s32 $0x1  }
0x2: {  	[smem:$0x3F9E] =	sst lr;
	_ =	strace $0xD0000000  }
0x3: {  	_ = 	snop  }
0x4: {  	_ = 	snop  }
0x5: {  	_ = 	snop  }
0x6: {  	_ = 	snop  }
0x7: {  	_ = 	snop  }
__scs_overlays_trampoline_lowered:
0x8: {  	[smem:$0x3FAD] =	sst s0  }
0x9: {  	[smem:$0x3FAE] =	sst s1  }
0xa: {  	[smem:$0x3FAF] =	sst s2  }
0xb: {  	[smem:$0x3FB0] =	sst s3  }
0xc: {  	[smem:$0x3FB1] =	sst s4  }
0xd: {  	[smem:$0x3FB2] =	sst s5  }
0xe: {  	[smem:$0x3FB3] =	sst s6  }
0xf: {  	[smem:$0x3FB4] =	sst s7  }
0x10: {  	[smem:$0x3FB5] =	sst s8  }
0x11: {  	[smem:$0x3FB6] =	sst s9;
	s0 =	simm.s32 @!p0 $0x0  }
0x12: {  	s1 =	sld [smem:$0x3F9C];
	s0 =	simm.s32 @p0 $0x1  }
0x13: {  	[smem:$0x3FB7] =	sst s0;
	s0 =	simm.s32 @!p1 $0x0  }
0x14: {  	s2 =	sld [smem:$0x3F9B];
	s0 =	simm.s32 @p1 $0x1  }
0x15: {  	[smem:$0x3FB8] =	sst s0;
	s0 =	simm.s32 @!p2 $0x0  }
0x16: {  	s3 =	sld [smem:$0x3FDB];
	s0 =	simm.s32 @p2 $0x1  }
0x17: {  	s4 =	simm.s32 $0x1BF5;
	[smem:$0x3FBA] =	sst s0  }
0x18: {  	s0 =	sld [smem:$0x3F9D];
	_ =	swait.ge [sflag:s4], $0x0  }
0x19: {  	s7 =	sld [smem:$0x3F9E]  }
0x1a: {  	s8 =	sadd.s32 $0xFFFFE003, lr  }
0x1b: {  	s9 =	sadd.s32 $0xFFFFFEF7, lr;
	s5 =	simm.s32 $0xFFFFFFFF;
	p2 =	slt.u32 s8, $0xFFFFF086  }
0x1c: {  	p1 =	slt.u32 s9, $0xF7A;
	s5 =	simm.s32 @!p2 $0x0  }
0x1d: {  	s5 =	simm.s32 @p1 $0x1;
	p0 =	seq.s32 s7, s2  }
0x1e: {  	s7 =	smul.u32 @!p0 $0xF7A, s2;
	p2 =	seq.s32 @!p0 s5, $0x0  }
0x1f: {  	s9 =	smul.u32 $0xF7A, s1;
	s8 =	simm.s32 @!p0 $0x1BF5;
	p2 =	por !p2, p0  }
0x20: {  	[sflag:s8] =	ssyncset.s32 @!p0 $0xFFFFF086;
	s6 =	sadd.s32 @!p0 s3, s7;
	s7 =	simm.s32 @!p0 $0x108  }
0x21: {  	s3 =	sadd.s32 s3, s9;
	s6 =	sadd.s32 @!p0 $0x88, s6;
	s7 =	simm.s32 @p2 $0x1082  }
0x22: {  	[simem:s7], [sflag:s8] =	dma.local @!p0 [hbm:s6], $0xF7A  }
0x23: {  	s9 =	sor.u32 $0xD0000000, s2;
	s6 =	simm.s32 $0x108;
	_ =	swait.ge @!p0 [sflag:s8], $0x0  }
0x24: {  	s3 =	sadd.s32 $0x88, s3;
	s6 =	simm.s32 @!p1 $0x1082;
	[sflag:s4] =	ssyncset.s32 $0xFFFFF086  }
0x25: {  	[simem:s6], [sflag:s4] =	dma.local [hbm:s3], $0xF7A  }
0x26: {  	[smem:$0x3F9E] =	sst s1;
	(tag) =	ssettag s2;
	_ =	strace s9  }
0x27: {  	s1 =	sld [smem:$0x3FAE]  }
0x28: {  	s2 =	sld [smem:$0x3FAF]  }
0x29: {  	s4 =	sld [smem:$0x3FB1]  }
0x2a: {  	p0 =	seq.s32 s5, $0x0;
	s5 =	sld [smem:$0x3FB2]  }
0x2b: {  	s6 =	sld [smem:$0x3FB3]  }
0x2c: {  	s7 =	sld [smem:$0x3FB4]  }
0x2d: {  	s3 =	simm.s32 $0x108;
	s8 =	sld [smem:$0x3FB5]  }
0x2e: {  	s3 =	simm.s32 @!p0 $0x1082;
	s9 =	sld [smem:$0x3FB6]  }
0x2f: {  	lr =	sadd.s32 s0, s3;
	s0 =	sld [smem:$0x3FAD]  }
0x30: {  	s3 =	sld [smem:$0x3FB0]  }
0x31: {  	[smem:$0x3FB9] =	sst s10  }
0x32: {  	s10 =	sld [smem:$0x3FB7];
	_ =	sdelay $0x3  }
0x33: {  	p0 =	seq.s32 s10, $0x1;
	s10 =	sld [smem:$0x3FB9];
	_ =	sdelay $0x3  }
0x34: {  	[smem:$0x3FB9] =	sst s10  }
0x35: {  	s10 =	sld [smem:$0x3FB8];
	_ =	sdelay $0x3  }
0x36: {  	p1 =	seq.s32 s10, $0x1;
	s10 =	sld [smem:$0x3FB9];
	_ =	sdelay $0x3  }
0x37: {  	[smem:$0x3FB9] =	sst s10  }
0x38: {  	s10 =	sld [smem:$0x3FBA]  }
0x39: {  	_ = 	snop;
	(pc) =	sbr.ind lr, $3  }
0x3a: {  	_ = 	snop  }
0x3b: {  	_ = 	snop  }
0x3c: {  	p2 =	seq.s32 s10, $0x1;
	s10 =	sld [smem:$0x3FB9]  }
0x3d: {  	_ =	shalt  }
0x3e: {  	_ =	shalt  }
0x3f: {  	_ =	shalt  }
0x40: {  	_ =	shalt  }
0x41: {  	_ =	shalt  }
0x42: {  	_ =	shalt  }
0x43: {  	_ =	shalt  }
0x44: {  	_ =	shalt  }
0x45: {  	_ =	shalt  }
0x46: {  	_ =	shalt  }
0x47: {  	_ =	shalt  }
0x48: {  	_ =	shalt  }
0x49: {  	_ =	shalt  }
0x4a: {  	_ =	shalt  }
0x4b: {  	_ =	shalt  }
0x4c: {  	_ =	shalt  }
0x4d: {  	_ =	shalt  }
0x4e: {  	_ =	shalt  }
0x4f: {  	_ =	shalt  }
0x50: {  	_ =	shalt  }
0x51: {  	_ =	shalt  }
0x52: {  	_ =	shalt  }
0x53: {  	_ =	shalt  }
0x54: {  	_ =	shalt  }
0x55: {  	_ =	shalt  }
0x56: {  	_ =	shalt  }
0x57: {  	_ =	shalt  }
0x58: {  	_ =	shalt  }
0x59: {  	_ =	shalt  }
0x5a: {  	_ =	shalt  }
0x5b: {  	_ =	shalt  }
0x5c: {  	_ =	shalt  }
0x5d: {  	_ =	shalt  }
0x5e: {  	_ =	shalt  }
0x5f: {  	_ =	shalt  }
0x60: {  	_ =	shalt  }
0x61: {  	_ =	shalt  }
0x62: {  	_ =	shalt  }
0x63: {  	_ =	shalt  }
0x64: {  	_ =	shalt  }
0x65: {  	_ =	shalt  }
0x66: {  	_ =	shalt  }
0x67: {  	_ =	shalt  }
0x68: {  	_ =	shalt  }
0x69: {  	_ =	shalt  }
0x6a: {  	_ =	shalt  }
0x6b: {  	_ =	shalt  }
0x6c: {  	_ =	shalt  }
0x6d: {  	_ =	shalt  }
0x6e: {  	_ =	shalt  }
0x6f: {  	_ =	shalt  }
0x70: {  	_ =	shalt  }
0x71: {  	_ =	shalt  }
0x72: {  	_ =	shalt  }
0x73: {  	_ =	shalt  }
0x74: {  	_ =	shalt  }
0x75: {  	_ =	shalt  }
0x76: {  	_ =	shalt  }
0x77: {  	_ =	shalt  }
0x78: {  	_ =	shalt  }
0x79: {  	_ =	shalt  }
0x7a: {  	_ =	shalt  }
0x7b: {  	_ =	shalt  }
0x7c: {  	_ =	shalt  }
0x7d: {  	_ =	shalt  }
0x7e: {  	_ =	shalt  }
0x7f: {  	_ =	shalt  }
0x80: {  	_ =	shalt  }
0x81: {  	_ =	shalt  }
0x82: {  	_ =	shalt  }
0x83: {  	_ =	shalt  }
0x84: {  	_ =	shalt  }
0x85: {  	_ =	shalt  }
0x86: {  	_ =	shalt  }
0x87: {  	_ =	shalt  }
.Lfunc_end0:
.L_simem_size_0:
called_computation.1_lowered:
.L_overlay_start_0:
0x88: {  	s0 =	sld [smem:$0x3FD9]  }
0x89: {  	s1 =	sld [smem:$0x3FFE];
	_ =	sdelay $0x3  }
0x8a: {  	s0 =	sadd.s32 s1, s0  }
0x8b: {  	[smem:$0x3FC5] =	sst s0  }
0x8c: {  	_ = 	snop  }
0x8d: {  	s0 =	sld [smem:$0x3FC7]  }
0x8e: {  	s16 =	sld [smem:$0x3FD0];
	(tm) =	ssettm $0x1  }
0x8f: {  	s2 =	sld [smem:$0x3FFB];
	_ =	sdelay $0x3  }
0x90: {  	_ =	strace s2  }
0x91: {  	s2 =	sld [smem:$0x3FFC];
	_ =	sdelay $0x3  }
0x92: {  	_ =	strace s2  }
0x93: {  	s2 =	sld [smem:$0x3FFD];
	_ =	sdelay $0x3  }
0x94: {  	_ =	strace s2  }
0x95: {  	_ =	strace $0x8FFFFFFF  }
0x96: {  	s17 =	sld [smem:$0x3FDB];
	_ =	sdelay $0x1  }
0x97: {  	s3 =	simm.s32 $_scs_section_size  }
0x98: {  	s4 =	simm.s32 $_size__tile_overlayer_lowered;
	s5 =	simm.s32 $_tile_overlayer_lowered  }
0x99: {  	s20 =	simm.s32 $0x1BFF;
	s19 =	sshll.u32 s5, $0x1;
	s2 =	sadd.s32 s3, s17  }
0x9a: {  	s6 =	simm.s32 $0x0;
	s18 =	sshll.u32 s4, $0x1;
	s4 =	sadd.s32 s19, s2  }
0x9b: {  	[timem:s6], [sflag:s20] =	dma.local [hbm:s4], s18  }
0x9c: {  	_ =	swait.ge [sflag:s20], s18  }
0x9d: {  	s3 =	ssub.s32 $0x0, s18;
	[sflag:s20] =	ssyncset.done $0x0  }
0x9e: {  	[sflag:s20] =	ssyncadd.s32 s3;
	_ =	sdelay $0x1  }
0x9f: {  	s21 =	simm.s32 $0x1B8B  }
0xa0: {  	_ =	swait.ge [sflag:s21], $0x1  }
0xa1: {  	[sflag:s21] =	ssyncset.done $0x0  }
0xa2: {  	s23 =	simm.s32 $0x1B8E;
	s22 =	sld [smem:$0x3FFE];
	[sflag:s21] =	ssyncadd.s32 $0xFFFFFFFF  }
0xa3: {  	s24 =	simm.s32 $execute0_lowered;
	[smem:$0x3FD2] =	sst s23  }
0xa4: {  	s4 =	sshll.u32 s24, $0x1;
	_ =	strace $0x80000049;
	[dreg:$0x1] =	wrdreg $0xFFFFFFFF  }
0xa5: {  	s25 =	simm.s32 $_size_execute0_lowered;
	s2 =	sadd.s32 s2, s4;
	[dreg:$0x0] =	wrdreg $0x0  }
0xa6: {  	s4 =	sshll.u32 s25, $0x1;
	[dreg:$0x2] =	wrdreg s2  }
0xa7: {  	[dreg:$0x3] =	wrdreg s4  }
0xa8: {  	[dreg:$0x4] =	wrdreg $0xC0  }
0xa9: {  	_ =	task [dreg:s6], $0x5FFFF  }
0xaa: {  	[dreg:$0x1] =	wrdreg $0xFFFFFFFF  }
0xab: {  	[dreg:$0x0] =	wrdreg $0x60  }
0xac: {  	[dreg:$0x2] =	wrdreg s0  }
0xad: {  	[dreg:$0x3] =	wrdreg s16  }
0xae: {  	[dreg:$0x4] =	wrdreg s22  }
0xaf: {  	[dreg:$0x5] =	wrdreg $0x9  }
0xb0: {  	_ =	task.clear_ibuf [dreg:s6], $0x6FFFF;
	_ =	strace $0x90000049  }
0xb1: {  	s26 =	simm.s32 $0x9;
	_ =	strace $0x8000004B  }
0xb2: {  	_ =	swait.ge [sflag:s26], $0x1  }
0xb3: {  	[sflag:s26] =	ssyncadd.s32 $0xFFFFFFFF  }
0xb4: {  	_ =	strace $0x9000004B  }
0xb5: {  	_ =	sfence  }
0xb6: {  	s28 =	sld [smem:$0x0];
	_ =	sdelay $0x1  }
0xb7: {  	s29 =	srdreg.scid  }
0xb8: {  	s30 =	sshll.u32 s29, $0xD;
	s31 =	sshrl.u32 s29, $0x2  }
0xb9: {  	s1 =	sand.u32 $0x1, s29;
	s2 =	sand.u32 $0x4000, s30;
	s0 =	sadd.s32 s31, s28  }
0xba: {  	s1 =	sor.u32 s2, s1;
	s0 =	sshll.u32 s0, $0x11  }
0xbb: {  	s0 =	sor.u32 s0, s1  }
0xbc: {  	s0 =	sadd.s32 $0x8F2B, s0  }
0xbd: {  	[sflag:s0] =	ssyncadd.remote.s32 $0x1  }
0xbe: {  	_ =	sfence.sel $0xFFFF  }
0xbf: {  	[dreg:$0x0] =	wrdreg $0xFFFFFFFF;
	(pc) =	sbr.abs _section_cstart, $3  }
0xc0: {  	[dreg:$0x1] =	wrdreg $0xFFFFFFFF  }
0xc1: {  	_ =	task.clear_ibuf [dreg:s6], $0x2FFFF;
	_ =	strace $0x9FFFFFFF  }
0xc2: {  	(tm) =	ssettm $0x7FFFFFFF  }
0xc3: {  	_ =	shalt  }
tec
execute0_lowered:
.L_overlay_start_1:
0x0: {  	(tag) =	ssettag $0x1  }
0x1: {  	s2 =	rddreg [dreg:$0x0]  }
0x2: {  	s3 =	rddreg [dreg:$0x1]  }
0x3: {  	s4 =	rddreg [dreg:$0x2]  }
0x4: {  	s0 =	rddreg [dreg:$0x3];
	s1 =	stileid.u32  }
0x5: {  	_ =	strace $0x8000004A;
	s6 =	simm.s32 $0x1;
	s7 =	simm.s32 $0x500  }
0x6: {  	s9 =	simm.s32 $0x1;
	s10 =	simm.s32 $0x3;
	s5 =	smul.u32 $0x50, s1  }
0x7: {  	s13 =	simm.s32 $0x0;
	s12 =	simm.s32 $0x0;
	p0 =	slt.u32 s1, $0xA  }
.Ltmp0:
0x8: {  	s7 =	simm.s32 @!p0 $0x0;
	s8 =	ssub.s32 $0x7D0, s5;
	(pc) =	sbr.rel .LBB2_1-.Ltmp0, $4  }
0x9: {  	s9 =	simm.s32 @!p0 $0x0;
	p0 =	sne.s32 s8, s7;
	s8 =	simm.s32 $0x1  }
0xa: {  	[sflag:s6] =	ssyncpa.u1 $0x0;
	s7 =	simm.s32 $0x2;
	s8 =	simm.s32 @!p0 $0x0  }
0xb: {  	s11 =	smov.u32 s5;
	[sflag:s7] =	ssyncpa.u1 $0x0;
	s8 =	sadd.s32 s9, s8  }
0xc: {  	vm0 =	vmmov $0xffff;
	[sflag:s10] =	ssyncpa.u1 $0x0;
	s10 =	simm.s32 $0x0;
	s9 =	sadd.s32 $0x1, s8  }
.LBB2_4:
0xd: {  	v2 =	vnsel vm1, $0x0, v2  }
0xe: {  	vm1 =	vgt.s32 v0, $0x0;
	v2 =	vmin.u32 v2, $0x4E1F  }
0xf: {  	v0 =	vnsel vm1, $0x0, v0  }
0x10: {  	v0 =	vmin.u32 v0, $0x4E1F  }
0x11: {  	[tilespmem:s18], [sflag:$0x1] =	stream.indirect_vreg.gather [hbm4b:s2+s10], $0x1, v1, vm0, $0x4038;
	[tilespmem:$0x140] =	vst v63  }
0x12: {  	(ifvalue) =	ssetifvalue $0x7FFFFFFF  }
0x13: {  	[tilespmem:s15], [sflag:$0x1] =	stream.indirect_vreg.gather [hbm4b:s2+s10], $0x1, v2, vm0, $0x4038;
	[tilespmem:$0x140] =	vst v63  }
0x14: {  	s29 =	sadd.s32 $0x10, s15;
	(ifvalue) =	ssetifvalue $0x7FFFFFFF  }
0x15: {  	[tilespmem:s29], [sflag:$0x1] =	stream.indirect_vreg.gather [hbm4b:s2+s10], $0x1, v0, vm0, $0x4038;
	[tilespmem:$0x140] =	vst v63  }
0x16: {  	_ =	swait.ge [sflag:s6], $0x50  }
0x17: {  	s30 =	sshrl.u32 s13, $0x3;
	[sflag:s6] =	ssyncset.done $0x0  }
0x18: {  	s31 =	sand.u32 $0x7, s13;
	s15 =	sadd.s32 s4, s30;
	[sflag:s6] =	ssyncadd.s32 $0xFFFFFFB0  }
0x19: {  	[hbm4b:s15+s31] =	stream.linear.scatter [tilespmem:s14], [sflag:$0x3], $0x50, $0x38;
	[tilespmem:$0x140] =	vst v63  }
.LBB2_5:
0x1a: {  	s15 =	sadd.s32 $0x500, s11  }
0x1b: {  	p1 =	sgt.s32 s15, $0x7CF  }
0x1c: {  	s15 =	smov.u32 @p1 s5;
	p1 =	sne.s32 s12, s9  }
.Ltmp1:
0x1d: {  	p0 =	slt.u32 s12, $0x2;
	(pc) =	sbr.rel @!p1 .LBB2_6-.Ltmp1, $4  }
0x1e: {  	s14 =	simm.s32 @!p0 $0x3  }
0x1f: {  	_ =	swait.ge @!p0 [sflag:s14], $0x50  }
0x20: {  	s16 =	sadd.s32 $0x1, s12;
	s13 =	smov.u32 s11;
	[sflag:s14] =	ssyncset.done @!p0 $0x0  }
0x21: {  	s12 =	smov.u32 s16;
	s11 =	smov.u32 s15;
	[sflag:s14] =	ssyncadd.s32 @!p0 $0xFFFFFFB0  }
.LBB2_1:
0x22: {  	p0 =	sge.u32 s12, s8  }
0x23: {  	s14 =	sxor.u32 @!p0 $0x1, s12  }
0x24: {  	s14 =	smul.u32 @!p0 $0x140, s14  }
0x25: {  	s31 =	sadd.s32 $0xFFFFFFFF, s12;
	s15 =	sshrl.u32 @!p0 s11, $0x3  }
0x26: {  	s16 =	sand.u32 @!p0 $0x7, s11;
	s15 =	sadd.s32 @!p0 s3, s15;
	s14 =	sshra.s32 @!p0 s14, $0x2  }
0x27: {  	[tilespmem:s14], [sflag:$0x2] =	stream.linear.gather @!p0 [hbm4b:s15+s16], $0x50, $0x38;
	[tilespmem:$0x140] =	vst v63  }
0x28: {  	p0 =	sge.u32 s31, s8  }
.Ltmp2:
0x29: {  	_ = 	snop;
	(pc) =	sbr.rel @p0 .LBB2_5-.Ltmp2, $1  }
0x2a: {  	_ =	sdelay $0x3  }
0x2b: {  	s14 =	sand.u32 $0x1, s12  }
0x2c: {  	_ =	swait.ge [sflag:s7], $0x50;
	p0 =	seq.s32 s14, $0x1;
	s14 =	simm.s32 $0x50  }
0x2d: {  	[sflag:s7] =	ssyncset.done $0x0;
	s14 =	simm.s32 @!p0 $0x0  }
0x2e: {  	[sflag:s7] =	ssyncadd.s32 $0xFFFFFFB0;
	(ifvalue) =	ssetifvalue $0x7FFFFFFF;
	v0 =	vld.msk [tilespmem:s14+$0x0 ss:$0x1], $0xffff;
	_ =	sdelay $0x4  }
0x2f: {  	s15 =	sadd.s32 $0x10, s14;
	vm1 =	vgt.s32 v0, $0x0  }
0x30: {  	v2 =	vld.msk [tilespmem:s15+$0x0 ss:$0x1], $0xffff;
	v1 =	vnsel vm1, $0x0, v0  }
0x31: {  	v1 =	vmin.u32 v1, $0x4E1F;
	_ =	sdelay $0x2  }
0x32: {  	s17 =	simm.s32 $0x20;
	s14 =	sor.u32 $0xA0, s14;
	s16 =	sadd.s32 $0x10, s15  }
0x33: {  	s15 =	sadd.s32 $0x10, s14;
	s18 =	smov.u32 s14;
	v0 =	vld.msk [tilespmem:s16+$0x0 ss:$0x1], $0xffff;
	vm1 =	vgt.s32 v2, $0x0;
	(ifvalue) =	ssetifvalue $0x7FFFFFFF  }
.LBB2_3:
0x34: {  	[tilespmem:s18], [sflag:$0x1] =	stream.indirect_vreg.gather [hbm4b:s2+s10], $0x1, v1, vm0, $0x4038;
	[tilespmem:$0x140] =	vst v63  }
0x35: {  	s17 =	sadd.s32 $0x10, s17  }
0x36: {  	v2 =	vnsel vm1, $0x0, v2;
	p0 =	slt.u32 s17, $0x40  }
.Ltmp3:
0x37: {  	s18 =	smov.u32 s15;
	v1 =	vmin.u32 v2, $0x4E1F;
	(pc) =	sbr.rel @p0 .LBB2_3-.Ltmp3, $3  }
0x38: {  	_ =	sdelay $0x1  }
0x39: {  	s16 =	sadd.s32 $0x10, s16  }
0x3a: {  	vm1 =	vgt.s32 v0, $0x0;
	s15 =	sadd.s32 $0x10, s15;
	v2 =	vmov v0;
	(ifvalue) =	ssetifvalue $0x7FFFFFFF;
	v0 =	vld.msk [tilespmem:s16+$0x0 ss:$0x1], $0xffff  }
.Ltmp4:
0x3b: {  	_ = 	snop;
	(pc) =	sbr.rel .LBB2_4-.Ltmp4, $1  }
0x3c: {  	_ =	sdelay $0x3  }
.LBB2_6:
0x3d: {  	_ =	sfence.sel $0x180000  }
0x3e: {  	s2 =	simm.s32 $0x2;
	[bflag:$0x0] =	sbarrier.arrive $0xFFFF  }
0x3f: {  	s30 =	simm.s32 $0x3;
	[sflag:s2] =	ssyncpa.u1 $0x1  }
0x40: {  	s31 =	simm.s32 $0x1;
	[sflag:s30] =	ssyncpa.u1 $0x1  }
0x41: {  	[sflag:s31] =	ssyncpa.u1 $0x1  }
0x42: {  	p0 =	sne.s32 s1, $0x0;
	_ =	strace $0x9000004A  }
0x43: {  	s0 =	sadd.s32 @!p0 $0x100000, s0;
	[bflag:$0x2] =	sbarrier.arrive $0xFFFF  }
0x44: {  	[sflag:s0] =	ssyncadd.tile.s32 @!p0 $0x1;
	_ =	shalt  }
.Lfunc_end2:
_tile_overlayer_lowered:
.L_overlay_start_2:
0x45: {  	(tag) =	ssettag $0x2  }
0x46: {  	s0 =	rddreg [dreg:$0x0];
	s2 =	stileid.u32  }
0x47: {  	s1 =	rddreg [dreg:$0x1];
	p0 =	sne.s32 s2, $0x0  }
0x48: {  	s3 =	rddreg [dreg:$0x2];
	[bflag:$0x3] =	sbarrier.arrive $0xFFFF;
	s2 =	simm.s32 @!p0 $0x1C01  }
0x49: {  	[timem:s3], [sflag:s2] =	dma.local @!p0 [hbm:s0], s1  }
0x4a: {  	s0 =	simm.s32 @!p0 $0x1  }
0x4b: {  	_ =	swait.ge @!p0 [sflag:s0], s1  }
0x4c: {  	s1 =	ssub.s32 @!p0 $0x0, s1;
	[sflag:s0] =	ssyncset.done @!p0 $0x0  }
0x4d: {  	[sflag:s0] =	ssyncadd.s32 @!p0 s1  }
0x4e: {  	[bflag:$0x3] =	sbarrier.arrive $0xFFFF  }
0x4f: {  	_ =	shalt  }

// kernel: gather_offload_async_start
scs
__scs_entry_jumppad:
0x0: {  	(pc) =	sbr.rel $0x88, $3  }
0x1: {  	(tag) =	ssettag $0x0;
	lr =	simm.s32 $0x1  }
0x2: {  	[smem:$0x3F9E] =	sst lr;
	_ =	strace $0xD0000000  }
0x3: {  	_ = 	snop  }
0x4: {  	_ = 	snop  }
0x5: {  	_ = 	snop  }
0x6: {  	_ = 	snop  }
0x7: {  	_ = 	snop  }
__scs_overlays_trampoline_lowered:
0x8: {  	[smem:$0x3FAD] =	sst s0  }
0x9: {  	[smem:$0x3FAE] =	sst s1  }
0xa: {  	[smem:$0x3FAF] =	sst s2  }
0xb: {  	[smem:$0x3FB0] =	sst s3  }
0xc: {  	[smem:$0x3FB1] =	sst s4  }
0xd: {  	[smem:$0x3FB2] =	sst s5  }
0xe: {  	[smem:$0x3FB3] =	sst s6  }
0xf: {  	[smem:$0x3FB4] =	sst s7  }
0x10: {  	[smem:$0x3FB5] =	sst s8  }
0x11: {  	[smem:$0x3FB6] =	sst s9;
	s0 =	simm.s32 @!p0 $0x0  }
0x12: {  	s1 =	sld [smem:$0x3F9C];
	s0 =	simm.s32 @p0 $0x1  }
0x13: {  	[smem:$0x3FB7] =	sst s0;
	s0 =	simm.s32 @!p1 $0x0  }
0x14: {  	s2 =	sld [smem:$0x3F9B];
	s0 =	simm.s32 @p1 $0x1  }
0x15: {  	[smem:$0x3FB8] =	sst s0;
	s0 =	simm.s32 @!p2 $0x0  }
0x16: {  	s3 =	sld [smem:$0x3FDB];
	s0 =	simm.s32 @p2 $0x1  }
0x17: {  	s4 =	simm.s32 $0x1BF5;
	[smem:$0x3FBA] =	sst s0  }
0x18: {  	s0 =	sld [smem:$0x3F9D];
	_ =	swait.ge [sflag:s4], $0x0  }
0x19: {  	s7 =	sld [smem:$0x3F9E]  }
0x1a: {  	s8 =	sadd.s32 $0xFFFFE003, lr  }
0x1b: {  	s9 =	sadd.s32 $0xFFFFFEF7, lr;
	s5 =	simm.s32 $0xFFFFFFFF;
	p2 =	slt.u32 s8, $0xFFFFF086  }
0x1c: {  	p1 =	slt.u32 s9, $0xF7A;
	s5 =	simm.s32 @!p2 $0x0  }
0x1d: {  	s5 =	simm.s32 @p1 $0x1;
	p0 =	seq.s32 s7, s2  }
0x1e: {  	s7 =	smul.u32 @!p0 $0xF7A, s2;
	p2 =	seq.s32 @!p0 s5, $0x0  }
0x1f: {  	s9 =	smul.u32 $0xF7A, s1;
	s8 =	simm.s32 @!p0 $0x1BF5;
	p2 =	por !p2, p0  }
0x20: {  	[sflag:s8] =	ssyncset.s32 @!p0 $0xFFFFF086;
	s6 =	sadd.s32 @!p0 s3, s7;
	s7 =	simm.s32 @!p0 $0x108  }
0x21: {  	s3 =	sadd.s32 s3, s9;
	s6 =	sadd.s32 @!p0 $0x88, s6;
	s7 =	simm.s32 @p2 $0x1082  }
0x22: {  	[simem:s7], [sflag:s8] =	dma.local @!p0 [hbm:s6], $0xF7A  }
0x23: {  	s9 =	sor.u32 $0xD0000000, s2;
	s6 =	simm.s32 $0x108;
	_ =	swait.ge @!p0 [sflag:s8], $0x0  }
0x24: {  	s3 =	sadd.s32 $0x88, s3;
	s6 =	simm.s32 @!p1 $0x1082;
	[sflag:s4] =	ssyncset.s32 $0xFFFFF086  }
0x25: {  	[simem:s6], [sflag:s4] =	dma.local [hbm:s3], $0xF7A  }
0x26: {  	[smem:$0x3F9E] =	sst s1;
	(tag) =	ssettag s2;
	_ =	strace s9  }
0x27: {  	s1 =	sld [smem:$0x3FAE]  }
0x28: {  	s2 =	sld [smem:$0x3FAF]  }
0x29: {  	s4 =	sld [smem:$0x3FB1]  }
0x2a: {  	p0 =	seq.s32 s5, $0x0;
	s5 =	sld [smem:$0x3FB2]  }
0x2b: {  	s6 =	sld [smem:$0x3FB3]  }
0x2c: {  	s7 =	sld [smem:$0x3FB4]  }
0x2d: {  	s3 =	simm.s32 $0x108;
	s8 =	sld [smem:$0x3FB5]  }
0x2e: {  	s3 =	simm.s32 @!p0 $0x1082;
	s9 =	sld [smem:$0x3FB6]  }
0x2f: {  	lr =	sadd.s32 s0, s3;
	s0 =	sld [smem:$0x3FAD]  }
0x30: {  	s3 =	sld [smem:$0x3FB0]  }
0x31: {  	[smem:$0x3FB9] =	sst s10  }
0x32: {  	s10 =	sld [smem:$0x3FB7];
	_ =	sdelay $0x3  }
0x33: {  	p0 =	seq.s32 s10, $0x1;
	s10 =	sld [smem:$0x3FB9];
	_ =	sdelay $0x3  }
0x34: {  	[smem:$0x3FB9] =	sst s10  }
0x35: {  	s10 =	sld [smem:$0x3FB8];
	_ =	sdelay $0x3  }
0x36: {  	p1 =	seq.s32 s10, $0x1;
	s10 =	sld [smem:$0x3FB9];
	_ =	sdelay $0x3  }
0x37: {  	[smem:$0x3FB9] =	sst s10  }
0x38: {  	s10 =	sld [smem:$0x3FBA]  }
0x39: {  	_ = 	snop;
	(pc) =	sbr.ind lr, $3  }
0x3a: {  	_ = 	snop  }
0x3b: {  	_ = 	snop  }
0x3c: {  	p2 =	seq.s32 s10, $0x1;
	s10 =	sld [smem:$0x3FB9]  }
0x3d: {  	_ =	shalt  }
0x3e: {  	_ =	shalt  }
0x3f: {  	_ =	shalt  }
0x40: {  	_ =	shalt  }
0x41: {  	_ =	shalt  }
0x42: {  	_ =	shalt  }
0x43: {  	_ =	shalt  }
0x44: {  	_ =	shalt  }
0x45: {  	_ =	shalt  }
0x46: {  	_ =	shalt  }
0x47: {  	_ =	shalt  }
0x48: {  	_ =	shalt  }
0x49: {  	_ =	shalt  }
0x4a: {  	_ =	shalt  }
0x4b: {  	_ =	shalt  }
0x4c: {  	_ =	shalt  }
0x4d: {  	_ =	shalt  }
0x4e: {  	_ =	shalt  }
0x4f: {  	_ =	shalt  }
0x50: {  	_ =	shalt  }
0x51: {  	_ =	shalt  }
0x52: {  	_ =	shalt  }
0x53: {  	_ =	shalt  }
0x54: {  	_ =	shalt  }
0x55: {  	_ =	shalt  }
0x56: {  	_ =	shalt  }
0x57: {  	_ =	shalt  }
0x58: {  	_ =	shalt  }
0x59: {  	_ =	shalt  }
0x5a: {  	_ =	shalt  }
0x5b: {  	_ =	shalt  }
0x5c: {  	_ =	shalt  }
0x5d: {  	_ =	shalt  }
0x5e: {  	_ =	shalt  }
0x5f: {  	_ =	shalt  }
0x60: {  	_ =	shalt  }
0x61: {  	_ =	shalt  }
0x62: {  	_ =	shalt  }
0x63: {  	_ =	shalt  }
0x64: {  	_ =	shalt  }
0x65: {  	_ =	shalt  }
0x66: {  	_ =	shalt  }
0x67: {  	_ =	shalt  }
0x68: {  	_ =	shalt  }
0x69: {  	_ =	shalt  }
0x6a: {  	_ =	shalt  }
0x6b: {  	_ =	shalt  }
0x6c: {  	_ =	shalt  }
0x6d: {  	_ =	shalt  }
0x6e: {  	_ =	shalt  }
0x6f: {  	_ =	shalt  }
0x70: {  	_ =	shalt  }
0x71: {  	_ =	shalt  }
0x72: {  	_ =	shalt  }
0x73: {  	_ =	shalt  }
0x74: {  	_ =	shalt  }
0x75: {  	_ =	shalt  }
0x76: {  	_ =	shalt  }
0x77: {  	_ =	shalt  }
0x78: {  	_ =	shalt  }
0x79: {  	_ =	shalt  }
0x7a: {  	_ =	shalt  }
0x7b: {  	_ =	shalt  }
0x7c: {  	_ =	shalt  }
0x7d: {  	_ =	shalt  }
0x7e: {  	_ =	shalt  }
0x7f: {  	_ =	shalt  }
0x80: {  	_ =	shalt  }
0x81: {  	_ =	shalt  }
0x82: {  	_ =	shalt  }
0x83: {  	_ =	shalt  }
0x84: {  	_ =	shalt  }
0x85: {  	_ =	shalt  }
0x86: {  	_ =	shalt  }
0x87: {  	_ =	shalt  }
.Lfunc_end0:
.L_simem_size_0:
called_computation_lowered:
.L_overlay_start_0:
0x88: {  	s0 =	sld [smem:$0x3FD9]  }
0x89: {  	s1 =	sld [smem:$0x3FFE];
	_ =	sdelay $0x3  }
0x8a: {  	s0 =	sadd.s32 s1, s0  }
0x8b: {  	[smem:$0x3FC5] =	sst s0  }
0x8c: {  	_ = 	snop  }
0x8d: {  	s0 =	sld [smem:$0x3FD0];
	(tm) =	ssettm $0x1  }
0x8e: {  	s16 =	sld [smem:$0x3FFB];
	_ =	sdelay $0x3  }
0x8f: {  	_ =	strace s16  }
0x90: {  	s1 =	sld [smem:$0x3FFC];
	_ =	sdelay $0x3  }
0x91: {  	_ =	strace s1  }
0x92: {  	s1 =	sld [smem:$0x3FFD];
	_ =	sdelay $0x3  }
0x93: {  	_ =	strace s1  }
0x94: {  	_ =	strace $0x8FFFFFFF  }
0x95: {  	s17 =	sld [smem:$0x3FDB];
	_ =	sdelay $0x1  }
0x96: {  	s2 =	simm.s32 $_scs_section_size  }
0x97: {  	s3 =	simm.s32 $_size__tile_overlayer_lowered;
	s4 =	simm.s32 $_tile_overlayer_lowered  }
0x98: {  	s20 =	simm.s32 $0x1BFF;
	s19 =	sshll.u32 s4, $0x1;
	s1 =	sadd.s32 s2, s17  }
0x99: {  	s5 =	simm.s32 $0x0;
	s18 =	sshll.u32 s3, $0x1;
	s3 =	sadd.s32 s19, s1  }
0x9a: {  	[timem:s5], [sflag:s20] =	dma.local [hbm:s3], s18  }
0x9b: {  	_ =	swait.ge [sflag:s20], s18  }
0x9c: {  	s2 =	ssub.s32 $0x0, s18;
	[sflag:s20] =	ssyncset.done $0x0  }
0x9d: {  	[sflag:s20] =	ssyncadd.s32 s2;
	_ =	sdelay $0x1  }
0x9e: {  	s21 =	simm.s32 $0x1B8B  }
0x9f: {  	_ =	swait.ge [sflag:s21], $0x1  }
0xa0: {  	[sflag:s21] =	ssyncset.done $0x0  }
0xa1: {  	s23 =	simm.s32 $0x1B8E;
	s22 =	sld [smem:$0x3FFE];
	[sflag:s21] =	ssyncadd.s32 $0xFFFFFFFF  }
0xa2: {  	s24 =	simm.s32 $execute0_lowered;
	[smem:$0x3FD2] =	sst s23  }
0xa3: {  	s3 =	sshll.u32 s24, $0x1;
	_ =	strace $0x80000046;
	[dreg:$0x1] =	wrdreg $0xFFFFFFFF  }
0xa4: {  	s25 =	simm.s32 $_size_execute0_lowered;
	s1 =	sadd.s32 s1, s3;
	[dreg:$0x0] =	wrdreg $0x0  }
0xa5: {  	s3 =	sshll.u32 s25, $0x1;
	[dreg:$0x2] =	wrdreg s1  }
0xa6: {  	[dreg:$0x3] =	wrdreg s3  }
0xa7: {  	[dreg:$0x4] =	wrdreg $0xC0  }
0xa8: {  	_ =	task [dreg:s5], $0x5FFFF  }
0xa9: {  	[dreg:$0x1] =	wrdreg $0xFFFFFFFF  }
0xaa: {  	[dreg:$0x0] =	wrdreg $0x60  }
0xab: {  	[dreg:$0x2] =	wrdreg s22  }
0xac: {  	[dreg:$0x3] =	wrdreg s0  }
0xad: {  	[dreg:$0x4] =	wrdreg $0x9  }
0xae: {  	_ =	task.clear_ibuf [dreg:s5], $0x5FFFF;
	_ =	strace $0x90000046  }
0xaf: {  	s26 =	simm.s32 $0x9;
	_ =	strace $0x80000048  }
0xb0: {  	_ =	swait.ge [sflag:s26], $0x1  }
0xb1: {  	[sflag:s26] =	ssyncadd.s32 $0xFFFFFFFF  }
0xb2: {  	_ =	strace $0x90000048  }
0xb3: {  	_ =	sfence  }
0xb4: {  	s28 =	sld [smem:$0x0];
	_ =	sdelay $0x1  }
0xb5: {  	s29 =	srdreg.scid  }
0xb6: {  	s30 =	sshll.u32 s29, $0xD;
	s31 =	sshrl.u32 s29, $0x2  }
0xb7: {  	s2 =	sand.u32 $0x4000, s30;
	s1 =	sand.u32 $0x1, s29;
	s0 =	sadd.s32 s31, s28  }
0xb8: {  	s1 =	sor.u32 s2, s1;
	s0 =	sshll.u32 s0, $0x11  }
0xb9: {  	s0 =	sor.u32 s0, s1  }
0xba: {  	s0 =	sadd.s32 $0x8F2B, s0  }
0xbb: {  	[sflag:s0] =	ssyncadd.remote.s32 $0x1  }
0xbc: {  	_ =	sfence.sel $0xFFFF  }
0xbd: {  	[dreg:$0x0] =	wrdreg $0xFFFFFFFF;
	(pc) =	sbr.abs _section_cstart, $3  }
0xbe: {  	[dreg:$0x1] =	wrdreg $0xFFFFFFFF  }
0xbf: {  	_ =	task.clear_ibuf [dreg:s5], $0x2FFFF;
	_ =	strace $0x9FFFFFFF  }
0xc0: {  	(tm) =	ssettm $0x7FFFFFFF  }
0xc1: {  	_ =	shalt  }
tec
execute0_lowered:
.L_overlay_start_1:
0x0: {  	(tag) =	ssettag $0x1  }
0x1: {  	s0 =	stileid.u32  }
0x2: {  	s1 =	smin.u32 s0, $0x9  }
0x3: {  	s1 =	sadd.s32 s0, s1  }
0x4: {  	s2 =	simm.s32 $0xA0;
	p0 =	slt.u32 s0, $0x9;
	s1 =	smul.u32 $0x50, s1  }
0x5: {  	s2 =	simm.s32 @!p0 $0x50  }
0x6: {  	s2 =	sadd.s32 s2, s1  }
0x7: {  	s3 =	smin.u32 s2, $0x7D0  }
0x8: {  	s7 =	ssub.s32 s3, s1  }
0x9: {  	p0 =	sgt.s32 s7, $0x0  }
0xa: {  	s7 =	simm.s32 @!p0 $0x0  }
0xb: {  	s4 =	rddreg [dreg:$0x0];
	s31 =	smul.u32 $0xCCCD, s7  }
0xc: {  	s5 =	rddreg [dreg:$0x1]  }
0xd: {  	s6 =	simm.s32 $0x1;
	s10 =	simm.s32 $0x3;
	s8 =	sshrl.u32 s31, $0x16  }
0xe: {  	s13 =	simm.s32 $0x0;
	s12 =	simm.s32 $0x0;
	s9 =	smul.u32 $0x50, s8  }
.Ltmp0:
0xf: {  	s11 =	smov.u32 s1;
	s2 =	rddreg [dreg:$0x2];
	(pc) =	sbr.rel .LBB2_1-.Ltmp0, $4  }
0x10: {  	_ =	strace $0x80000047;
	p0 =	sne.s32 s7, s9;
	s9 =	simm.s32 $0x1  }
0x11: {  	[sflag:s6] =	ssyncpa.u1 $0x0;
	s7 =	simm.s32 $0x2;
	s9 =	simm.s32 @!p0 $0x0  }
0x12: {  	[sflag:s7] =	ssyncpa.u1 $0x0;
	p0 =	por $0x0, $0x0;
	s8 =	sadd.s32 s8, s9  }
0x13: {  	vm0 =	vmmov $0xff;
	vm1 =	vcmask $0x3F20;
	s9 =	sadd.s32 $0x4E200, s4;
	[sflag:s10] =	ssyncpa.u1 $0x0;
	s10 =	sadd.s32 $0x1, s8  }
.LBB2_6:
0x14: {  	[hbm:s17] =	stream.linear.scatter [tilespmem:s14], [sflag:$0x3], $0x400, $0x38;
	[tilespmem:$0x50A0] =	vst v63  }
.LBB2_7:
0x15: {  	s13 =	sadd.s32 $0x50, s11  }
0x16: {  	s15 =	smov.u32 s1;
	p2 =	slt.s32 s13, s3  }
0x17: {  	s15 =	smov.u32 @p2 s13;
	p2 =	sne.s32 s12, s10  }
.Ltmp1:
0x18: {  	p1 =	slt.u32 s12, $0x2;
	(pc) =	sbr.rel @!p2 .LBB2_8-.Ltmp1, $4  }
0x19: {  	s14 =	simm.s32 @!p1 $0x3  }
0x1a: {  	s16 =	sadd.s32 $0x1, s12;
	_ =	swait.ge @!p1 [sflag:s14], $0x2800  }
0x1b: {  	p0 =	por !p0, !p0;
	s13 =	smov.u32 s11;
	[sflag:s14] =	ssyncset.done @!p1 $0x0  }
0x1c: {  	s12 =	smov.u32 s16;
	s11 =	smov.u32 s15;
	[sflag:s14] =	ssyncadd.s32 @!p1 $0xFFFFD800  }
.LBB2_1:
0x1d: {  	p1 =	sge.u32 s12, s8  }
0x1e: {  	s14 =	sxor.u32 @!p1 $0xFFFFFFFF, s12  }
0x1f: {  	s14 =	sand.u32 @!p1 $0x1, s14  }
0x20: {  	s14 =	smul.u32 @!p1 $0x140, s14  }
0x21: {  	s31 =	sadd.s32 $0xFFFFFFFF, s12;
	s15 =	sshrl.u32 @!p1 s11, $0x3  }
0x22: {  	s16 =	sand.u32 @!p1 $0x7, s11;
	s15 =	sadd.s32 @!p1 s5, s15;
	s14 =	sshrl.u32 @!p1 s14, $0x2  }
0x23: {  	[tilespmem:s14], [sflag:$0x2] =	stream.linear.gather @!p1 [hbm4b:s15+s16], $0x50, $0x38;
	[tilespmem:$0x50A0] =	vst v63  }
0x24: {  	p1 =	sge.u32 s31, s8  }
.Ltmp2:
0x25: {  	_ = 	snop;
	(pc) =	sbr.rel @p1 .LBB2_7-.Ltmp2, $1  }
0x26: {  	_ =	sdelay $0x3  }
0x27: {  	s14 =	simm.s32 $0x1  }
0x28: {  	s14 =	simm.s32 @!p0 $0x0  }
0x29: {  	s15 =	smul.u32 $0x140, s14  }
0x2a: {  	_ =	swait.ge [sflag:s7], $0x50  }
0x2b: {  	[sflag:s7] =	ssyncset.done $0x0;
	s16 =	sshrl.u32 s15, $0x2  }
0x2c: {  	[sflag:s7] =	ssyncadd.s32 $0xFFFFFFB0;
	s15 =	sadd.s32 $0x0, s16  }
0x2d: {  	v0 =	vld.msk [tilespmem:s15+$0x0 ss:$0x1], $0xffff;
	_ =	sdelay $0x4  }
0x2e: {  	vm2 =	vgt.s32 v0, $0x0  }
0x2f: {  	v0 =	vnsel vm2, $0x0, v0  }
0x30: {  	v0 =	vmin.u32 v0, $0x4E1F  }
0x31: {  	v0 =	vshll.u32 v0, $0x4  }
0x32: {  	s14 =	smul.u32 $0xA000, s14;
	_ =	sdelay $0x1  }
0x33: {  	s14 =	sshrl.u32 s14, $0x2  }
0x34: {  	s14 =	sor.u32 $0xA0, s14  }
0x35: {  	[tilespmem:s14], [sflag:$0x1] =	stream.indirect_vreg.gather [hbm:s4], $0x80, v0, vm0, $0x38;
	[tilespmem:$0x50A0] =	vst v63  }
0x36: {  	s17 =	sadd.s32 $0x10, s16;
	s15 =	sadd.s32 $0x400, s14  }
0x37: {  	[tilespmem:s15], [sflag:$0x1] =	stream.indirect_vreg.gather [hbm:s4], $0x80, v0, vm1, $0x38;
	[tilespmem:$0x50A0] =	vst v63  }
0x38: {  	s18 =	simm.s32 $0x80;
	v0 =	vld.msk [tilespmem:s17+$0x0 ss:$0x1], $0xffff;
	s17 =	smov.u32 s14  }
.LBB2_3:
0x39: {  	p1 =	sne.s32 s18, $0x100;
	_ =	sdelay $0x4  }
0x3a: {  	vm2 =	vgt.s32 v0, $0x0  }
0x3b: {  	v0 =	vnsel vm2, $0x0, v0  }
0x3c: {  	v0 =	vmin.u32 v0, $0x4E1F  }
0x3d: {  	v0 =	vshll.u32 v0, $0x4;
	_ =	sdelay $0x3  }
.Ltmp3:
0x3e: {  	s19 =	sshra.s32 s18, $0x2;
	s17 =	sadd.s32 $0x800, s17;
	(pc) =	sbr.rel @p1 .LBB2_3-.Ltmp3, $4  }
0x3f: {  	[tilespmem:s17], [sflag:$0x1] =	stream.indirect_vreg.gather [hbm:s4], $0x80, v0, vm0, $0x38;
	[tilespmem:$0x50A0] =	vst v63  }
0x40: {  	s19 =	sadd.s32 s19, s16;
	s20 =	sadd.s32 $0x400, s17  }
0x41: {  	[tilespmem:s20], [sflag:$0x1] =	stream.indirect_vreg.gather [hbm:s4], $0x80, v0, vm1, $0x38;
	[tilespmem:$0x50A0] =	vst v63  }
0x42: {  	s18 =	sadd.s32 $0x40, s18;
	v0 =	vld.msk [tilespmem:s19+$0x0 ss:$0x1], $0xffff  }
0x43: {  	_ =	sdelay $0x3  }
0x44: {  	vm2 =	vgt.s32 v0, $0x0  }
0x45: {  	v0 =	vnsel vm2, $0x0, v0  }
0x46: {  	v0 =	vmin.u32 v0, $0x4E1F  }
0x47: {  	v0 =	vshll.u32 v0, $0x4;
	_ =	sdelay $0x3  }
0x48: {  	s16 =	sadd.s32 $0x800, s17  }
0x49: {  	[tilespmem:s16], [sflag:$0x1] =	stream.indirect_vreg.gather [hbm:s4], $0x80, v0, vm0, $0x38;
	[tilespmem:$0x50A0] =	vst v63  }
0x4a: {  	s16 =	sadd.s32 $0x400, s16  }
0x4b: {  	[tilespmem:s16], [sflag:$0x1] =	stream.indirect_vreg.gather [hbm:s4], $0x80, v0, vm1, $0x38;
	[tilespmem:$0x50A0] =	vst v63  }
0x4c: {  	s13 =	sshll.u32 s13, $0x4;
	_ =	swait.ge [sflag:s6], $0x2800  }
0x4d: {  	s13 =	sadd.s32 s13, s9;
	[sflag:s6] =	ssyncset.done $0x0  }
0x4e: {  	s17 =	sadd.s32 $0x0, s13;
	s16 =	simm.s32 $0x80;
	[sflag:s6] =	ssyncadd.s32 $0xFFFFD800  }
.LBB2_5:
0x4f: {  	[hbm:s17] =	stream.linear.scatter [tilespmem:s14], [sflag:$0x3], $0x400, $0x38;
	[tilespmem:$0x50A0] =	vst v63  }
0x50: {  	s17 =	smov.u32 s16;
	s14 =	smov.u32 s15;
	p1 =	sne.s32 s16, $0x480  }
.Ltmp4:
0x51: {  	s16 =	sadd.s32 $0x80, s16;
	(pc) =	sbr.rel @p1 .LBB2_5-.Ltmp4, $2  }
0x52: {  	_ =	sdelay $0x2  }
0x53: {  	s15 =	sadd.s32 $0x400, s15;
	s17 =	sadd.s32 s17, s13  }
.Ltmp5:
0x54: {  	_ = 	snop;
	(pc) =	sbr.rel .LBB2_6-.Ltmp5, $1  }
0x55: {  	_ =	sdelay $0x3  }
.LBB2_8:
0x56: {  	_ =	sfence.sel $0x180000  }
0x57: {  	s1 =	simm.s32 $0x2;
	[bflag:$0x0] =	sbarrier.arrive $0xFFFF  }
0x58: {  	s30 =	simm.s32 $0x3;
	[sflag:s1] =	ssyncpa.u1 $0x1  }
0x59: {  	s31 =	simm.s32 $0x1;
	[sflag:s30] =	ssyncpa.u1 $0x1  }
0x5a: {  	[sflag:s31] =	ssyncpa.u1 $0x1  }
0x5b: {  	p0 =	sne.s32 s0, $0x0;
	_ =	strace $0x90000047  }
0x5c: {  	s0 =	sadd.s32 @!p0 $0x100000, s2;
	[bflag:$0x2] =	sbarrier.arrive $0xFFFF  }
0x5d: {  	[sflag:s0] =	ssyncadd.tile.s32 @!p0 $0x1;
	_ =	shalt  }
.Lfunc_end2:
_tile_overlayer_lowered:
.L_overlay_start_2:
0x5e: {  	(tag) =	ssettag $0x2  }
0x5f: {  	s0 =	rddreg [dreg:$0x0];
	s2 =	stileid.u32  }
0x60: {  	s1 =	rddreg [dreg:$0x1];
	p0 =	sne.s32 s2, $0x0  }
0x61: {  	s3 =	rddreg [dreg:$0x2];
	[bflag:$0x3] =	sbarrier.arrive $0xFFFF;
	s2 =	simm.s32 @!p0 $0x1C01  }
0x62: {  	[timem:s3], [sflag:s2] =	dma.local @!p0 [hbm:s0], s1  }
0x63: {  	s0 =	simm.s32 @!p0 $0x1  }
0x64: {  	_ =	swait.ge @!p0 [sflag:s0], s1  }
0x65: {  	s1 =	ssub.s32 @!p0 $0x0, s1;
	[sflag:s0] =	ssyncset.done @!p0 $0x0  }
0x66: {  	[sflag:s0] =	ssyncadd.s32 @!p0 s1  }
0x67: {  	[bflag:$0x3] =	sbarrier.arrive $0xFFFF  }
0x68: {  	_ =	shalt  }

</sc_bundles>
